<compile_context>
chip_gen: v7x
topology: tpu7x:2x2x1
jax: 0.10.2.dev20260603
libtpu: 0.0.44.dev20260713+nightly
codegen_flags: <defaults>
</compile_context>

<pallas_src>
import functools

import jax
import jax.numpy as jnp
from jax.experimental import pallas as pl
from jax.experimental.pallas import tpu as pltpu


def _gcn_block_kernel(edges_ref, ev_ref, hp_ref, nodes_ref, w_ref, out_ref,
                      g_ref, *, n, e, out_f):
    @pl.when(pl.program_id(0) == 0)
    def _init():
        nt = jnp.dot(nodes_ref[:], w_ref[:], preferred_element_type=jnp.float32)
        for i in range(n):
            g_ref[:, i * out_f:(i + 1) * out_f] = jnp.dot(
                hp_ref[i * e:(i + 1) * e, :], nt,
                preferred_element_type=jnp.float32)

    ew = jnp.sum(edges_ref[:] * ev_ref[0][None, None, :], axis=-1)
    out_ref[:] = jnp.dot(ew, g_ref[:], preferred_element_type=jnp.float32)


def kernel(nodes, edges, weight_matrix, edge_weight_vec, adj_matrix, inc_matrix):
    b, e, k = edges.shape
    n, in_f = nodes.shape
    out_f = weight_matrix.shape[1]
    f32 = jnp.float32

    adj_sl = adj_matrix + jnp.eye(n, dtype=adj_matrix.dtype)
    deg = jnp.sum(adj_sl, axis=1)
    d_inv = 1.0 / jnp.sqrt(deg)
    lap = d_inv[:, None] * adj_sl * d_inv[None, :]
    mask = ((inc_matrix[:, None, :] * inc_matrix[None, :, :]) != 0).astype(f32)
    hp = (mask * lap[:, :, None]).transpose(0, 2, 1).reshape(n * e, n)
    ev2 = edge_weight_vec.astype(f32).reshape(1, k)

    bb = 256
    out = pl.pallas_call(
        functools.partial(_gcn_block_kernel, n=n, e=e, out_f=out_f),
        grid=(b // bb,),
        in_specs=[
            pl.BlockSpec((bb, e, k), lambda i: (i, 0, 0)),
            pl.BlockSpec((1, k), lambda i: (0, 0)),
            pl.BlockSpec((n * e, n), lambda i: (0, 0)),
            pl.BlockSpec((n, in_f), lambda i: (0, 0)),
            pl.BlockSpec((in_f, out_f), lambda i: (0, 0)),
        ],
        out_specs=pl.BlockSpec((bb, n * out_f), lambda i: (i, 0)),
        out_shape=jax.ShapeDtypeStruct((b, n * out_f), f32),
        scratch_shapes=[pltpu.VMEM((e, n * out_f), f32)],
    )(edges, ev2, hp, nodes, weight_matrix)
    return out.reshape(b, n, out_f)

# --- scband reference (transcript-rebuilt; emitter-appended) ---
"""Pipeline reference for scband-node-graph-convlutional-layer-59279138619795 (READ-ONLY COPY).

The authoritative reference and input builder live on the scoring server;
editing this copy changes nothing except your own understanding.
"""

import jax, jax.numpy as jnp
import numpy as np

NUM_NODES = 32
NUM_EDGES = 64
IN_F = 256
OUT_F = 128
EDGE_F = 16
BATCH = 4096


def setup_inputs(seed: int = 0) -> dict:
    key = jax.random.key(seed)
    k1, k2, k3, k4 = jax.random.split(key, 4)
    nodes = jax.random.normal(k1, (NUM_NODES, IN_F), dtype=jnp.float32)
    edges = jax.random.normal(k2, (BATCH, NUM_EDGES, EDGE_F), dtype=jnp.float32)
    weight_matrix = jax.random.normal(k3, (IN_F, OUT_F), dtype=jnp.float32)
    edge_weight_vec = jax.random.normal(k4, (EDGE_F,), dtype=jnp.float32)
    adj_matrix = jnp.ones((NUM_NODES, NUM_NODES), dtype=jnp.float32)
    inc_matrix = jnp.ones((NUM_NODES, NUM_EDGES), dtype=jnp.float32)
    return {
        'nodes': nodes,
        'edges': edges,
        'weight_matrix': weight_matrix,
        'edge_weight_vec': edge_weight_vec,
        'adj_matrix': adj_matrix,
        'inc_matrix': inc_matrix,
    }


def reference(nodes, edges, weight_matrix, edge_weight_vec, adj_matrix, inc_matrix):
    # Precomputed (buffer) graph normalization, as done in __init__
    n = adj_matrix.shape[0]
    adj_sl = adj_matrix + jnp.eye(n, dtype=adj_matrix.dtype)
    deg = jnp.sum(adj_sl, axis=1)
    d_inv = 1.0 / jnp.sqrt(deg)  # fractional_matrix_power(diag, -0.5) on a diagonal matrix
    norm_symm_laplacian = d_inv[:, None] * adj_sl * d_inv[None, :]

    # forward: edge feature projection -> scalar per edge
    ew = jnp.matmul(edges, edge_weight_vec)  # [B, E]

    # get_TDT_product: TDT[b, i, j] = sum over edges e where inc[i,e]*inc[j,e] != 0 of ew[b, e]
    shared = (inc_matrix[:, None, :] * inc_matrix[None, :, :]) != 0  # [N, N, E] bool
    mask = shared.astype(ew.dtype)
    tdt = jnp.einsum('be,ije->bij', ew, mask)  # [B, N, N]

    A_mat = tdt * norm_symm_laplacian  # [B, N, N]
    nt = jnp.matmul(nodes, weight_matrix)  # [N, OUT_F]
    out = jnp.matmul(A_mat, nt)  # [B, N, OUT_F]
    return out

if __name__ == "__main__":
    import jax
    _d = setup_inputs()
    print(jax.jit(kernel)(*tuple(_d.values())))

</pallas_src>

<mosaic_0001>
module attributes {stable_mosaic.version = 14 : i64} {
  func.func @_gcn_block_kernel(%arg0: i32, %arg1: memref<256x64x16xf32, #tpu.memory_space<vmem>>, %arg2: memref<1x16xf32, #tpu.memory_space<vmem>>, %arg3: memref<2048x32xf32, #tpu.memory_space<vmem>>, %arg4: memref<32x256xf32, #tpu.memory_space<vmem>>, %arg5: memref<256x128xf32, #tpu.memory_space<vmem>>, %arg6: memref<256x4096xf32, #tpu.memory_space<vmem>>, %arg7: memref<64x4096xf32, #tpu.memory_space<vmem>>) attributes {dimension_semantics = [#tpu.dimension_semantics<arbitrary>], iteration_bounds = array<i64: 16>, scalar_prefetch = 0 : i64, scratch_operands = 1 : i64, tpu.core_type = #tpu.core_type<tc>, window_params = [{transform_indices = @transform_0, window_bounds = array<i64: 256, 64, 16>}, {pipeline_mode = #tpu.pipeline_mode<synchronous>, transform_indices = @transform_1, window_bounds = array<i64: 1, 16>}, {pipeline_mode = #tpu.pipeline_mode<synchronous>, transform_indices = @transform_2, window_bounds = array<i64: 2048, 32>}, {pipeline_mode = #tpu.pipeline_mode<synchronous>, transform_indices = @transform_3, window_bounds = array<i64: 32, 256>}, {pipeline_mode = #tpu.pipeline_mode<synchronous>, transform_indices = @transform_4, window_bounds = array<i64: 256, 128>}, {transform_indices = @transform_5, window_bounds = array<i64: 256, 4096>}]} {
    %eq3A = arith.constant 0 : i32
    %eq3A_0 = arith.cmpi eq, %arg0, %eq3A : i32
    %convert_element_type3A = arith.extui %eq3A_0 : i1 to i32
    %cond3A = arith.constant 0 : i32
    %cond3A_1 = arith.cmpi ne, %convert_element_type3A, %cond3A : i32
    scf.if %cond3A_1 {
      %get3A_17 = arith.constant 0 : index
      %get3A_18 = arith.constant 0 : index
      %get3A_19 = vector.load %arg4[%get3A_17, %get3A_18] : memref<32x256xf32, #tpu.memory_space<vmem>>, vector<32x256xf32>
      %get3A_20 = arith.constant 0 : index
      %get3A_21 = arith.constant 0 : index
      %get3A_22 = vector.load %arg5[%get3A_20, %get3A_21] : memref<256x128xf32, #tpu.memory_space<vmem>>, vector<256x128xf32>
      %dot_general3A_23 = arith.constant dense<0.000000e+00> : vector<32x128xf32>
      %dot_general3A_24 = tpu.matmul %get3A_19, %get3A_22, %dot_general3A_23 {dimension_numbers = #tpu.dot_dimension_numbers<[1], [0], [0], [1], [0, 0, 1, 1], [], []>, transpose_lhs_hint = false} : vector<32x256xf32>, vector<256x128xf32>, vector<32x128xf32> -> vector<32x128xf32>
      %get3A_25 = arith.constant 0 : index
      %get3A_26 = arith.constant 0 : index
      %get3A_27 = vector.load %arg3[%get3A_25, %get3A_26] : memref<2048x32xf32, #tpu.memory_space<vmem>>, vector<64x32xf32>
      %dot_general3A_28 = arith.constant dense<0.000000e+00> : vector<64x128xf32>
      %dot_general3A_29 = tpu.matmul %get3A_27, %dot_general3A_24, %dot_general3A_28 {dimension_numbers = #tpu.dot_dimension_numbers<[1], [0], [0], [1], [0, 0, 1, 1], [], []>, transpose_lhs_hint = false} : vector<64x32xf32>, vector<32x128xf32>, vector<64x128xf32> -> vector<64x128xf32>
      %swap3A_30 = arith.constant 0 : index
      %swap3A_31 = arith.constant 0 : index
      %swap3A_32 = vector.load %arg7[%swap3A_30, %swap3A_31] : memref<64x4096xf32, #tpu.memory_space<vmem>>, vector<64x128xf32>
      tpu.vector_store %arg7[%swap3A_30, %swap3A_31], %dot_general3A_29 {strides = array<i32>} : memref<64x4096xf32, #tpu.memory_space<vmem>>, vector<64x128xf32>,
      %get3A_33 = arith.constant 64 : index
      %get3A_34 = arith.constant 0 : index
      %get3A_35 = vector.load %arg3[%get3A_33, %get3A_34] : memref<2048x32xf32, #tpu.memory_space<vmem>>, vector<64x32xf32>
      %dot_general3A_36 = arith.constant dense<0.000000e+00> : vector<64x128xf32>
      %dot_general3A_37 = tpu.matmul %get3A_35, %dot_general3A_24, %dot_general3A_36 {dimension_numbers = #tpu.dot_dimension_numbers<[1], [0], [0], [1], [0, 0, 1, 1], [], []>, transpose_lhs_hint = false} : vector<64x32xf32>, vector<32x128xf32>, vector<64x128xf32> -> vector<64x128xf32>
      %swap3A_38 = arith.constant 0 : index
      %swap3A_39 = arith.constant 128 : index
      %swap3A_40 = vector.load %arg7[%swap3A_38, %swap3A_39] : memref<64x4096xf32, #tpu.memory_space<vmem>>, vector<64x128xf32>
      tpu.vector_store %arg7[%swap3A_38, %swap3A_39], %dot_general3A_37 {strides = array<i32>} : memref<64x4096xf32, #tpu.memory_space<vmem>>, vector<64x128xf32>,
      %get3A_41 = arith.constant 128 : index
      %get3A_42 = arith.constant 0 : index
      %get3A_43 = vector.load %arg3[%get3A_41, %get3A_42] : memref<2048x32xf32, #tpu.memory_space<vmem>>, vector<64x32xf32>
      %dot_general3A_44 = arith.constant dense<0.000000e+00> : vector<64x128xf32>
      %dot_general3A_45 = tpu.matmul %get3A_43, %dot_general3A_24, %dot_general3A_44 {dimension_numbers = #tpu.dot_dimension_numbers<[1], [0], [0], [1], [0, 0, 1, 1], [], []>, transpose_lhs_hint = false} : vector<64x32xf32>, vector<32x128xf32>, vector<64x128xf32> -> vector<64x128xf32>
      %swap3A_46 = arith.constant 0 : index
      %swap3A_47 = arith.constant 256 : index
      %swap3A_48 = vector.load %arg7[%swap3A_46, %swap3A_47] : memref<64x4096xf32, #tpu.memory_space<vmem>>, vector<64x128xf32>
      tpu.vector_store %arg7[%swap3A_46, %swap3A_47], %dot_general3A_45 {strides = array<i32>} : memref<64x4096xf32, #tpu.memory_space<vmem>>, vector<64x128xf32>,
      %get3A_49 = arith.constant 192 : index
      %get3A_50 = arith.constant 0 : index
      %get3A_51 = vector.load %arg3[%get3A_49, %get3A_50] : memref<2048x32xf32, #tpu.memory_space<vmem>>, vector<64x32xf32>
      %dot_general3A_52 = arith.constant dense<0.000000e+00> : vector<64x128xf32>
      %dot_general3A_53 = tpu.matmul %get3A_51, %dot_general3A_24, %dot_general3A_52 {dimension_numbers = #tpu.dot_dimension_numbers<[1], [0], [0], [1], [0, 0, 1, 1], [], []>, transpose_lhs_hint = false} : vector<64x32xf32>, vector<32x128xf32>, vector<64x128xf32> -> vector<64x128xf32>
      %swap3A_54 = arith.constant 0 : index
      %swap3A_55 = arith.constant 384 : index
      %swap3A_56 = vector.load %arg7[%swap3A_54, %swap3A_55] : memref<64x4096xf32, #tpu.memory_space<vmem>>, vector<64x128xf32>
      tpu.vector_store %arg7[%swap3A_54, %swap3A_55], %dot_general3A_53 {strides = array<i32>} : memref<64x4096xf32, #tpu.memory_space<vmem>>, vector<64x128xf32>,
      %get3A_57 = arith.constant 256 : index
      %get3A_58 = arith.constant 0 : index
      %get3A_59 = vector.load %arg3[%get3A_57, %get3A_58] : memref<2048x32xf32, #tpu.memory_space<vmem>>, vector<64x32xf32>
      %dot_general3A_60 = arith.constant dense<0.000000e+00> : vector<64x128xf32>
      %dot_general3A_61 = tpu.matmul %get3A_59, %dot_general3A_24, %dot_general3A_60 {dimension_numbers = #tpu.dot_dimension_numbers<[1], [0], [0], [1], [0, 0, 1, 1], [], []>, transpose_lhs_hint = false} : vector<64x32xf32>, vector<32x128xf32>, vector<64x128xf32> -> vector<64x128xf32>
      %swap3A_62 = arith.constant 0 : index
      %swap3A_63 = arith.constant 512 : index
      %swap3A_64 = vector.load %arg7[%swap3A_62, %swap3A_63] : memref<64x4096xf32, #tpu.memory_space<vmem>>, vector<64x128xf32>
      tpu.vector_store %arg7[%swap3A_62, %swap3A_63], %dot_general3A_61 {strides = array<i32>} : memref<64x4096xf32, #tpu.memory_space<vmem>>, vector<64x128xf32>,
      %get3A_65 = arith.constant 320 : index
      %get3A_66 = arith.constant 0 : index
      %get3A_67 = vector.load %arg3[%get3A_65, %get3A_66] : memref<2048x32xf32, #tpu.memory_space<vmem>>, vector<64x32xf32>
      %dot_general3A_68 = arith.constant dense<0.000000e+00> : vector<64x128xf32>
      %dot_general3A_69 = tpu.matmul %get3A_67, %dot_general3A_24, %dot_general3A_68 {dimension_numbers = #tpu.dot_dimension_numbers<[1], [0], [0], [1], [0, 0, 1, 1], [], []>, transpose_lhs_hint = false} : vector<64x32xf32>, vector<32x128xf32>, vector<64x128xf32> -> vector<64x128xf32>
      %swap3A_70 = arith.constant 0 : index
      %swap3A_71 = arith.constant 640 : index
      %swap3A_72 = vector.load %arg7[%swap3A_70, %swap3A_71] : memref<64x4096xf32, #tpu.memory_space<vmem>>, vector<64x128xf32>
      tpu.vector_store %arg7[%swap3A_70, %swap3A_71], %dot_general3A_69 {strides = array<i32>} : memref<64x4096xf32, #tpu.memory_space<vmem>>, vector<64x128xf32>,
      %get3A_73 = arith.constant 384 : index
      %get3A_74 = arith.constant 0 : index
      %get3A_75 = vector.load %arg3[%get3A_73, %get3A_74] : memref<2048x32xf32, #tpu.memory_space<vmem>>, vector<64x32xf32>
      %dot_general3A_76 = arith.constant dense<0.000000e+00> : vector<64x128xf32>
      %dot_general3A_77 = tpu.matmul %get3A_75, %dot_general3A_24, %dot_general3A_76 {dimension_numbers = #tpu.dot_dimension_numbers<[1], [0], [0], [1], [0, 0, 1, 1], [], []>, transpose_lhs_hint = false} : vector<64x32xf32>, vector<32x128xf32>, vector<64x128xf32> -> vector<64x128xf32>
      %swap3A_78 = arith.constant 0 : index
      %swap3A_79 = arith.constant 768 : index
      %swap3A_80 = vector.load %arg7[%swap3A_78, %swap3A_79] : memref<64x4096xf32, #tpu.memory_space<vmem>>, vector<64x128xf32>
      tpu.vector_store %arg7[%swap3A_78, %swap3A_79], %dot_general3A_77 {strides = array<i32>} : memref<64x4096xf32, #tpu.memory_space<vmem>>, vector<64x128xf32>,
      %get3A_81 = arith.constant 448 : index
      %get3A_82 = arith.constant 0 : index
      %get3A_83 = vector.load %arg3[%get3A_81, %get3A_82] : memref<2048x32xf32, #tpu.memory_space<vmem>>, vector<64x32xf32>
      %dot_general3A_84 = arith.constant dense<0.000000e+00> : vector<64x128xf32>
      %dot_general3A_85 = tpu.matmul %get3A_83, %dot_general3A_24, %dot_general3A_84 {dimension_numbers = #tpu.dot_dimension_numbers<[1], [0], [0], [1], [0, 0, 1, 1], [], []>, transpose_lhs_hint = false} : vector<64x32xf32>, vector<32x128xf32>, vector<64x128xf32> -> vector<64x128xf32>
      %swap3A_86 = arith.constant 0 : index
      %swap3A_87 = arith.constant 896 : index
      %swap3A_88 = vector.load %arg7[%swap3A_86, %swap3A_87] : memref<64x4096xf32, #tpu.memory_space<vmem>>, vector<64x128xf32>
      tpu.vector_store %arg7[%swap3A_86, %swap3A_87], %dot_general3A_85 {strides = array<i32>} : memref<64x4096xf32, #tpu.memory_space<vmem>>, vector<64x128xf32>,
      %get3A_89 = arith.constant 512 : index
      %get3A_90 = arith.constant 0 : index
      %get3A_91 = vector.load %arg3[%get3A_89, %get3A_90] : memref<2048x32xf32, #tpu.memory_space<vmem>>, vector<64x32xf32>
      %dot_general3A_92 = arith.constant dense<0.000000e+00> : vector<64x128xf32>
      %dot_general3A_93 = tpu.matmul %get3A_91, %dot_general3A_24, %dot_general3A_92 {dimension_numbers = #tpu.dot_dimension_numbers<[1], [0], [0], [1], [0, 0, 1, 1], [], []>, transpose_lhs_hint = false} : vector<64x32xf32>, vector<32x128xf32>, vector<64x128xf32> -> vector<64x128xf32>
      %swap3A_94 = arith.constant 0 : index
      %swap3A_95 = arith.constant 1024 : index
      %swap3A_96 = vector.load %arg7[%swap3A_94, %swap3A_95] : memref<64x4096xf32, #tpu.memory_space<vmem>>, vector<64x128xf32>
      tpu.vector_store %arg7[%swap3A_94, %swap3A_95], %dot_general3A_93 {strides = array<i32>} : memref<64x4096xf32, #tpu.memory_space<vmem>>, vector<64x128xf32>,
      %get3A_97 = arith.constant 576 : index
      %get3A_98 = arith.constant 0 : index
      %get3A_99 = vector.load %arg3[%get3A_97, %get3A_98] : memref<2048x32xf32, #tpu.memory_space<vmem>>, vector<64x32xf32>
      %dot_general3A_100 = arith.constant dense<0.000000e+00> : vector<64x128xf32>
      %dot_general3A_101 = tpu.matmul %get3A_99, %dot_general3A_24, %dot_general3A_100 {dimension_numbers = #tpu.dot_dimension_numbers<[1], [0], [0], [1], [0, 0, 1, 1], [], []>, transpose_lhs_hint = false} : vector<64x32xf32>, vector<32x128xf32>, vector<64x128xf32> -> vector<64x128xf32>
      %swap3A_102 = arith.constant 0 : index
      %swap3A_103 = arith.constant 1152 : index
      %swap3A_104 = vector.load %arg7[%swap3A_102, %swap3A_103] : memref<64x4096xf32, #tpu.memory_space<vmem>>, vector<64x128xf32>
      tpu.vector_store %arg7[%swap3A_102, %swap3A_103], %dot_general3A_101 {strides = array<i32>} : memref<64x4096xf32, #tpu.memory_space<vmem>>, vector<64x128xf32>,
      %get3A_105 = arith.constant 640 : index
      %get3A_106 = arith.constant 0 : index
      %get3A_107 = vector.load %arg3[%get3A_105, %get3A_106] : memref<2048x32xf32, #tpu.memory_space<vmem>>, vector<64x32xf32>
      %dot_general3A_108 = arith.constant dense<0.000000e+00> : vector<64x128xf32>
      %dot_general3A_109 = tpu.matmul %get3A_107, %dot_general3A_24, %dot_general3A_108 {dimension_numbers = #tpu.dot_dimension_numbers<[1], [0], [0], [1], [0, 0, 1, 1], [], []>, transpose_lhs_hint = false} : vector<64x32xf32>, vector<32x128xf32>, vector<64x128xf32> -> vector<64x128xf32>
      %swap3A_110 = arith.constant 0 : index
      %swap3A_111 = arith.constant 1280 : index
      %swap3A_112 = vector.load %arg7[%swap3A_110, %swap3A_111] : memref<64x4096xf32, #tpu.memory_space<vmem>>, vector<64x128xf32>
      tpu.vector_store %arg7[%swap3A_110, %swap3A_111], %dot_general3A_109 {strides = array<i32>} : memref<64x4096xf32, #tpu.memory_space<vmem>>, vector<64x128xf32>,
      %get3A_113 = arith.constant 704 : index
      %get3A_114 = arith.constant 0 : index
      %get3A_115 = vector.load %arg3[%get3A_113, %get3A_114] : memref<2048x32xf32, #tpu.memory_space<vmem>>, vector<64x32xf32>
      %dot_general3A_116 = arith.constant dense<0.000000e+00> : vector<64x128xf32>
      %dot_general3A_117 = tpu.matmul %get3A_115, %dot_general3A_24, %dot_general3A_116 {dimension_numbers = #tpu.dot_dimension_numbers<[1], [0], [0], [1], [0, 0, 1, 1], [], []>, transpose_lhs_hint = false} : vector<64x32xf32>, vector<32x128xf32>, vector<64x128xf32> -> vector<64x128xf32>
      %swap3A_118 = arith.constant 0 : index
      %swap3A_119 = arith.constant 1408 : index
      %swap3A_120 = vector.load %arg7[%swap3A_118, %swap3A_119] : memref<64x4096xf32, #tpu.memory_space<vmem>>, vector<64x128xf32>
      tpu.vector_store %arg7[%swap3A_118, %swap3A_119], %dot_general3A_117 {strides = array<i32>} : memref<64x4096xf32, #tpu.memory_space<vmem>>, vector<64x128xf32>,
      %get3A_121 = arith.constant 768 : index
      %get3A_122 = arith.constant 0 : index
      %get3A_123 = vector.load %arg3[%get3A_121, %get3A_122] : memref<2048x32xf32, #tpu.memory_space<vmem>>, vector<64x32xf32>
      %dot_general3A_124 = arith.constant dense<0.000000e+00> : vector<64x128xf32>
      %dot_general3A_125 = tpu.matmul %get3A_123, %dot_general3A_24, %dot_general3A_124 {dimension_numbers = #tpu.dot_dimension_numbers<[1], [0], [0], [1], [0, 0, 1, 1], [], []>, transpose_lhs_hint = false} : vector<64x32xf32>, vector<32x128xf32>, vector<64x128xf32> -> vector<64x128xf32>
      %swap3A_126 = arith.constant 0 : index
      %swap3A_127 = arith.constant 1536 : index
      %swap3A_128 = vector.load %arg7[%swap3A_126, %swap3A_127] : memref<64x4096xf32, #tpu.memory_space<vmem>>, vector<64x128xf32>
      tpu.vector_store %arg7[%swap3A_126, %swap3A_127], %dot_general3A_125 {strides = array<i32>} : memref<64x4096xf32, #tpu.memory_space<vmem>>, vector<64x128xf32>,
      %get3A_129 = arith.constant 832 : index
      %get3A_130 = arith.constant 0 : index
      %get3A_131 = vector.load %arg3[%get3A_129, %get3A_130] : memref<2048x32xf32, #tpu.memory_space<vmem>>, vector<64x32xf32>
      %dot_general3A_132 = arith.constant dense<0.000000e+00> : vector<64x128xf32>
      %dot_general3A_133 = tpu.matmul %get3A_131, %dot_general3A_24, %dot_general3A_132 {dimension_numbers = #tpu.dot_dimension_numbers<[1], [0], [0], [1], [0, 0, 1, 1], [], []>, transpose_lhs_hint = false} : vector<64x32xf32>, vector<32x128xf32>, vector<64x128xf32> -> vector<64x128xf32>
      %swap3A_134 = arith.constant 0 : index
      %swap3A_135 = arith.constant 1664 : index
      %swap3A_136 = vector.load %arg7[%swap3A_134, %swap3A_135] : memref<64x4096xf32, #tpu.memory_space<vmem>>, vector<64x128xf32>
      tpu.vector_store %arg7[%swap3A_134, %swap3A_135], %dot_general3A_133 {strides = array<i32>} : memref<64x4096xf32, #tpu.memory_space<vmem>>, vector<64x128xf32>,
      %get3A_137 = arith.constant 896 : index
      %get3A_138 = arith.constant 0 : index
      %get3A_139 = vector.load %arg3[%get3A_137, %get3A_138] : memref<2048x32xf32, #tpu.memory_space<vmem>>, vector<64x32xf32>
      %dot_general3A_140 = arith.constant dense<0.000000e+00> : vector<64x128xf32>
      %dot_general3A_141 = tpu.matmul %get3A_139, %dot_general3A_24, %dot_general3A_140 {dimension_numbers = #tpu.dot_dimension_numbers<[1], [0], [0], [1], [0, 0, 1, 1], [], []>, transpose_lhs_hint = false} : vector<64x32xf32>, vector<32x128xf32>, vector<64x128xf32> -> vector<64x128xf32>
      %swap3A_142 = arith.constant 0 : index
      %swap3A_143 = arith.constant 1792 : index
      %swap3A_144 = vector.load %arg7[%swap3A_142, %swap3A_143] : memref<64x4096xf32, #tpu.memory_space<vmem>>, vector<64x128xf32>
      tpu.vector_store %arg7[%swap3A_142, %swap3A_143], %dot_general3A_141 {strides = array<i32>} : memref<64x4096xf32, #tpu.memory_space<vmem>>, vector<64x128xf32>,
      %get3A_145 = arith.constant 960 : index
      %get3A_146 = arith.constant 0 : index
      %get3A_147 = vector.load %arg3[%get3A_145, %get3A_146] : memref<2048x32xf32, #tpu.memory_space<vmem>>, vector<64x32xf32>
      %dot_general3A_148 = arith.constant dense<0.000000e+00> : vector<64x128xf32>
      %dot_general3A_149 = tpu.matmul %get3A_147, %dot_general3A_24, %dot_general3A_148 {dimension_numbers = #tpu.dot_dimension_numbers<[1], [0], [0], [1], [0, 0, 1, 1], [], []>, transpose_lhs_hint = false} : vector<64x32xf32>, vector<32x128xf32>, vector<64x128xf32> -> vector<64x128xf32>
      %swap3A_150 = arith.constant 0 : index
      %swap3A_151 = arith.constant 1920 : index
      %swap3A_152 = vector.load %arg7[%swap3A_150, %swap3A_151] : memref<64x4096xf32, #tpu.memory_space<vmem>>, vector<64x128xf32>
      tpu.vector_store %arg7[%swap3A_150, %swap3A_151], %dot_general3A_149 {strides = array<i32>} : memref<64x4096xf32, #tpu.memory_space<vmem>>, vector<64x128xf32>,
      %get3A_153 = arith.constant 1024 : index
      %get3A_154 = arith.constant 0 : index
      %get3A_155 = vector.load %arg3[%get3A_153, %get3A_154] : memref<2048x32xf32, #tpu.memory_space<vmem>>, vector<64x32xf32>
      %dot_general3A_156 = arith.constant dense<0.000000e+00> : vector<64x128xf32>
      %dot_general3A_157 = tpu.matmul %get3A_155, %dot_general3A_24, %dot_general3A_156 {dimension_numbers = #tpu.dot_dimension_numbers<[1], [0], [0], [1], [0, 0, 1, 1], [], []>, transpose_lhs_hint = false} : vector<64x32xf32>, vector<32x128xf32>, vector<64x128xf32> -> vector<64x128xf32>
      %swap3A_158 = arith.constant 0 : index
      %swap3A_159 = arith.constant 2048 : index
      %swap3A_160 = vector.load %arg7[%swap3A_158, %swap3A_159] : memref<64x4096xf32, #tpu.memory_space<vmem>>, vector<64x128xf32>
      tpu.vector_store %arg7[%swap3A_158, %swap3A_159], %dot_general3A_157 {strides = array<i32>} : memref<64x4096xf32, #tpu.memory_space<vmem>>, vector<64x128xf32>,
      %get3A_161 = arith.constant 1088 : index
      %get3A_162 = arith.constant 0 : index
      %get3A_163 = vector.load %arg3[%get3A_161, %get3A_162] : memref<2048x32xf32, #tpu.memory_space<vmem>>, vector<64x32xf32>
      %dot_general3A_164 = arith.constant dense<0.000000e+00> : vector<64x128xf32>
      %dot_general3A_165 = tpu.matmul %get3A_163, %dot_general3A_24, %dot_general3A_164 {dimension_numbers = #tpu.dot_dimension_numbers<[1], [0], [0], [1], [0, 0, 1, 1], [], []>, transpose_lhs_hint = false} : vector<64x32xf32>, vector<32x128xf32>, vector<64x128xf32> -> vector<64x128xf32>
      %swap3A_166 = arith.constant 0 : index
      %swap3A_167 = arith.constant 2176 : index
      %swap3A_168 = vector.load %arg7[%swap3A_166, %swap3A_167] : memref<64x4096xf32, #tpu.memory_space<vmem>>, vector<64x128xf32>
      tpu.vector_store %arg7[%swap3A_166, %swap3A_167], %dot_general3A_165 {strides = array<i32>} : memref<64x4096xf32, #tpu.memory_space<vmem>>, vector<64x128xf32>,
      %get3A_169 = arith.constant 1152 : index
      %get3A_170 = arith.constant 0 : index
      %get3A_171 = vector.load %arg3[%get3A_169, %get3A_170] : memref<2048x32xf32, #tpu.memory_space<vmem>>, vector<64x32xf32>
      %dot_general3A_172 = arith.constant dense<0.000000e+00> : vector<64x128xf32>
      %dot_general3A_173 = tpu.matmul %get3A_171, %dot_general3A_24, %dot_general3A_172 {dimension_numbers = #tpu.dot_dimension_numbers<[1], [0], [0], [1], [0, 0, 1, 1], [], []>, transpose_lhs_hint = false} : vector<64x32xf32>, vector<32x128xf32>, vector<64x128xf32> -> vector<64x128xf32>
      %swap3A_174 = arith.constant 0 : index
      %swap3A_175 = arith.constant 2304 : index
      %swap3A_176 = vector.load %arg7[%swap3A_174, %swap3A_175] : memref<64x4096xf32, #tpu.memory_space<vmem>>, vector<64x128xf32>
      tpu.vector_store %arg7[%swap3A_174, %swap3A_175], %dot_general3A_173 {strides = array<i32>} : memref<64x4096xf32, #tpu.memory_space<vmem>>, vector<64x128xf32>,
      %get3A_177 = arith.constant 1216 : index
      %get3A_178 = arith.constant 0 : index
      %get3A_179 = vector.load %arg3[%get3A_177, %get3A_178] : memref<2048x32xf32, #tpu.memory_space<vmem>>, vector<64x32xf32>
      %dot_general3A_180 = arith.constant dense<0.000000e+00> : vector<64x128xf32>
      %dot_general3A_181 = tpu.matmul %get3A_179, %dot_general3A_24, %dot_general3A_180 {dimension_numbers = #tpu.dot_dimension_numbers<[1], [0], [0], [1], [0, 0, 1, 1], [], []>, transpose_lhs_hint = false} : vector<64x32xf32>, vector<32x128xf32>, vector<64x128xf32> -> vector<64x128xf32>
      %swap3A_182 = arith.constant 0 : index
      %swap3A_183 = arith.constant 2432 : index
      %swap3A_184 = vector.load %arg7[%swap3A_182, %swap3A_183] : memref<64x4096xf32, #tpu.memory_space<vmem>>, vector<64x128xf32>
      tpu.vector_store %arg7[%swap3A_182, %swap3A_183], %dot_general3A_181 {strides = array<i32>} : memref<64x4096xf32, #tpu.memory_space<vmem>>, vector<64x128xf32>,
      %get3A_185 = arith.constant 1280 : index
      %get3A_186 = arith.constant 0 : index
      %get3A_187 = vector.load %arg3[%get3A_185, %get3A_186] : memref<2048x32xf32, #tpu.memory_space<vmem>>, vector<64x32xf32>
      %dot_general3A_188 = arith.constant dense<0.000000e+00> : vector<64x128xf32>
      %dot_general3A_189 = tpu.matmul %get3A_187, %dot_general3A_24, %dot_general3A_188 {dimension_numbers = #tpu.dot_dimension_numbers<[1], [0], [0], [1], [0, 0, 1, 1], [], []>, transpose_lhs_hint = false} : vector<64x32xf32>, vector<32x128xf32>, vector<64x128xf32> -> vector<64x128xf32>
      %swap3A_190 = arith.constant 0 : index
      %swap3A_191 = arith.constant 2560 : index
      %swap3A_192 = vector.load %arg7[%swap3A_190, %swap3A_191] : memref<64x4096xf32, #tpu.memory_space<vmem>>, vector<64x128xf32>
      tpu.vector_store %arg7[%swap3A_190, %swap3A_191], %dot_general3A_189 {strides = array<i32>} : memref<64x4096xf32, #tpu.memory_space<vmem>>, vector<64x128xf32>,
      %get3A_193 = arith.constant 1344 : index
      %get3A_194 = arith.constant 0 : index
      %get3A_195 = vector.load %arg3[%get3A_193, %get3A_194] : memref<2048x32xf32, #tpu.memory_space<vmem>>, vector<64x32xf32>
      %dot_general3A_196 = arith.constant dense<0.000000e+00> : vector<64x128xf32>
      %dot_general3A_197 = tpu.matmul %get3A_195, %dot_general3A_24, %dot_general3A_196 {dimension_numbers = #tpu.dot_dimension_numbers<[1], [0], [0], [1], [0, 0, 1, 1], [], []>, transpose_lhs_hint = false} : vector<64x32xf32>, vector<32x128xf32>, vector<64x128xf32> -> vector<64x128xf32>
      %swap3A_198 = arith.constant 0 : index
      %swap3A_199 = arith.constant 2688 : index
      %swap3A_200 = vector.load %arg7[%swap3A_198, %swap3A_199] : memref<64x4096xf32, #tpu.memory_space<vmem>>, vector<64x128xf32>
      tpu.vector_store %arg7[%swap3A_198, %swap3A_199], %dot_general3A_197 {strides = array<i32>} : memref<64x4096xf32, #tpu.memory_space<vmem>>, vector<64x128xf32>,
      %get3A_201 = arith.constant 1408 : index
      %get3A_202 = arith.constant 0 : index
      %get3A_203 = vector.load %arg3[%get3A_201, %get3A_202] : memref<2048x32xf32, #tpu.memory_space<vmem>>, vector<64x32xf32>
      %dot_general3A_204 = arith.constant dense<0.000000e+00> : vector<64x128xf32>
      %dot_general3A_205 = tpu.matmul %get3A_203, %dot_general3A_24, %dot_general3A_204 {dimension_numbers = #tpu.dot_dimension_numbers<[1], [0], [0], [1], [0, 0, 1, 1], [], []>, transpose_lhs_hint = false} : vector<64x32xf32>, vector<32x128xf32>, vector<64x128xf32> -> vector<64x128xf32>
      %swap3A_206 = arith.constant 0 : index
      %swap3A_207 = arith.constant 2816 : index
      %swap3A_208 = vector.load %arg7[%swap3A_206, %swap3A_207] : memref<64x4096xf32, #tpu.memory_space<vmem>>, vector<64x128xf32>
      tpu.vector_store %arg7[%swap3A_206, %swap3A_207], %dot_general3A_205 {strides = array<i32>} : memref<64x4096xf32, #tpu.memory_space<vmem>>, vector<64x128xf32>,
      %get3A_209 = arith.constant 1472 : index
      %get3A_210 = arith.constant 0 : index
      %get3A_211 = vector.load %arg3[%get3A_209, %get3A_210] : memref<2048x32xf32, #tpu.memory_space<vmem>>, vector<64x32xf32>
      %dot_general3A_212 = arith.constant dense<0.000000e+00> : vector<64x128xf32>
      %dot_general3A_213 = tpu.matmul %get3A_211, %dot_general3A_24, %dot_general3A_212 {dimension_numbers = #tpu.dot_dimension_numbers<[1], [0], [0], [1], [0, 0, 1, 1], [], []>, transpose_lhs_hint = false} : vector<64x32xf32>, vector<32x128xf32>, vector<64x128xf32> -> vector<64x128xf32>
      %swap3A_214 = arith.constant 0 : index
      %swap3A_215 = arith.constant 2944 : index
      %swap3A_216 = vector.load %arg7[%swap3A_214, %swap3A_215] : memref<64x4096xf32, #tpu.memory_space<vmem>>, vector<64x128xf32>
      tpu.vector_store %arg7[%swap3A_214, %swap3A_215], %dot_general3A_213 {strides = array<i32>} : memref<64x4096xf32, #tpu.memory_space<vmem>>, vector<64x128xf32>,
      %get3A_217 = arith.constant 1536 : index
      %get3A_218 = arith.constant 0 : index
      %get3A_219 = vector.load %arg3[%get3A_217, %get3A_218] : memref<2048x32xf32, #tpu.memory_space<vmem>>, vector<64x32xf32>
      %dot_general3A_220 = arith.constant dense<0.000000e+00> : vector<64x128xf32>
      %dot_general3A_221 = tpu.matmul %get3A_219, %dot_general3A_24, %dot_general3A_220 {dimension_numbers = #tpu.dot_dimension_numbers<[1], [0], [0], [1], [0, 0, 1, 1], [], []>, transpose_lhs_hint = false} : vector<64x32xf32>, vector<32x128xf32>, vector<64x128xf32> -> vector<64x128xf32>
      %swap3A_222 = arith.constant 0 : index
      %swap3A_223 = arith.constant 3072 : index
      %swap3A_224 = vector.load %arg7[%swap3A_222, %swap3A_223] : memref<64x4096xf32, #tpu.memory_space<vmem>>, vector<64x128xf32>
      tpu.vector_store %arg7[%swap3A_222, %swap3A_223], %dot_general3A_221 {strides = array<i32>} : memref<64x4096xf32, #tpu.memory_space<vmem>>, vector<64x128xf32>,
      %get3A_225 = arith.constant 1600 : index
      %get3A_226 = arith.constant 0 : index
      %get3A_227 = vector.load %arg3[%get3A_225, %get3A_226] : memref<2048x32xf32, #tpu.memory_space<vmem>>, vector<64x32xf32>
      %dot_general3A_228 = arith.constant dense<0.000000e+00> : vector<64x128xf32>
      %dot_general3A_229 = tpu.matmul %get3A_227, %dot_general3A_24, %dot_general3A_228 {dimension_numbers = #tpu.dot_dimension_numbers<[1], [0], [0], [1], [0, 0, 1, 1], [], []>, transpose_lhs_hint = false} : vector<64x32xf32>, vector<32x128xf32>, vector<64x128xf32> -> vector<64x128xf32>
      %swap3A_230 = arith.constant 0 : index
      %swap3A_231 = arith.constant 3200 : index
      %swap3A_232 = vector.load %arg7[%swap3A_230, %swap3A_231] : memref<64x4096xf32, #tpu.memory_space<vmem>>, vector<64x128xf32>
      tpu.vector_store %arg7[%swap3A_230, %swap3A_231], %dot_general3A_229 {strides = array<i32>} : memref<64x4096xf32, #tpu.memory_space<vmem>>, vector<64x128xf32>,
      %get3A_233 = arith.constant 1664 : index
      %get3A_234 = arith.constant 0 : index
      %get3A_235 = vector.load %arg3[%get3A_233, %get3A_234] : memref<2048x32xf32, #tpu.memory_space<vmem>>, vector<64x32xf32>
      %dot_general3A_236 = arith.constant dense<0.000000e+00> : vector<64x128xf32>
      %dot_general3A_237 = tpu.matmul %get3A_235, %dot_general3A_24, %dot_general3A_236 {dimension_numbers = #tpu.dot_dimension_numbers<[1], [0], [0], [1], [0, 0, 1, 1], [], []>, transpose_lhs_hint = false} : vector<64x32xf32>, vector<32x128xf32>, vector<64x128xf32> -> vector<64x128xf32>
      %swap3A_238 = arith.constant 0 : index
      %swap3A_239 = arith.constant 3328 : index
      %swap3A_240 = vector.load %arg7[%swap3A_238, %swap3A_239] : memref<64x4096xf32, #tpu.memory_space<vmem>>, vector<64x128xf32>
      tpu.vector_store %arg7[%swap3A_238, %swap3A_239], %dot_general3A_237 {strides = array<i32>} : memref<64x4096xf32, #tpu.memory_space<vmem>>, vector<64x128xf32>,
      %get3A_241 = arith.constant 1728 : index
      %get3A_242 = arith.constant 0 : index
      %get3A_243 = vector.load %arg3[%get3A_241, %get3A_242] : memref<2048x32xf32, #tpu.memory_space<vmem>>, vector<64x32xf32>
      %dot_general3A_244 = arith.constant dense<0.000000e+00> : vector<64x128xf32>
      %dot_general3A_245 = tpu.matmul %get3A_243, %dot_general3A_24, %dot_general3A_244 {dimension_numbers = #tpu.dot_dimension_numbers<[1], [0], [0], [1], [0, 0, 1, 1], [], []>, transpose_lhs_hint = false} : vector<64x32xf32>, vector<32x128xf32>, vector<64x128xf32> -> vector<64x128xf32>
      %swap3A_246 = arith.constant 0 : index
      %swap3A_247 = arith.constant 3456 : index
      %swap3A_248 = vector.load %arg7[%swap3A_246, %swap3A_247] : memref<64x4096xf32, #tpu.memory_space<vmem>>, vector<64x128xf32>
      tpu.vector_store %arg7[%swap3A_246, %swap3A_247], %dot_general3A_245 {strides = array<i32>} : memref<64x4096xf32, #tpu.memory_space<vmem>>, vector<64x128xf32>,
      %get3A_249 = arith.constant 1792 : index
      %get3A_250 = arith.constant 0 : index
      %get3A_251 = vector.load %arg3[%get3A_249, %get3A_250] : memref<2048x32xf32, #tpu.memory_space<vmem>>, vector<64x32xf32>
      %dot_general3A_252 = arith.constant dense<0.000000e+00> : vector<64x128xf32>
      %dot_general3A_253 = tpu.matmul %get3A_251, %dot_general3A_24, %dot_general3A_252 {dimension_numbers = #tpu.dot_dimension_numbers<[1], [0], [0], [1], [0, 0, 1, 1], [], []>, transpose_lhs_hint = false} : vector<64x32xf32>, vector<32x128xf32>, vector<64x128xf32> -> vector<64x128xf32>
      %swap3A_254 = arith.constant 0 : index
      %swap3A_255 = arith.constant 3584 : index
      %swap3A_256 = vector.load %arg7[%swap3A_254, %swap3A_255] : memref<64x4096xf32, #tpu.memory_space<vmem>>, vector<64x128xf32>
      tpu.vector_store %arg7[%swap3A_254, %swap3A_255], %dot_general3A_253 {strides = array<i32>} : memref<64x4096xf32, #tpu.memory_space<vmem>>, vector<64x128xf32>,
      %get3A_257 = arith.constant 1856 : index
      %get3A_258 = arith.constant 0 : index
      %get3A_259 = vector.load %arg3[%get3A_257, %get3A_258] : memref<2048x32xf32, #tpu.memory_space<vmem>>, vector<64x32xf32>
      %dot_general3A_260 = arith.constant dense<0.000000e+00> : vector<64x128xf32>
      %dot_general3A_261 = tpu.matmul %get3A_259, %dot_general3A_24, %dot_general3A_260 {dimension_numbers = #tpu.dot_dimension_numbers<[1], [0], [0], [1], [0, 0, 1, 1], [], []>, transpose_lhs_hint = false} : vector<64x32xf32>, vector<32x128xf32>, vector<64x128xf32> -> vector<64x128xf32>
      %swap3A_262 = arith.constant 0 : index
      %swap3A_263 = arith.constant 3712 : index
      %swap3A_264 = vector.load %arg7[%swap3A_262, %swap3A_263] : memref<64x4096xf32, #tpu.memory_space<vmem>>, vector<64x128xf32>
      tpu.vector_store %arg7[%swap3A_262, %swap3A_263], %dot_general3A_261 {strides = array<i32>} : memref<64x4096xf32, #tpu.memory_space<vmem>>, vector<64x128xf32>,
      %get3A_265 = arith.constant 1920 : index
      %get3A_266 = arith.constant 0 : index
      %get3A_267 = vector.load %arg3[%get3A_265, %get3A_266] : memref<2048x32xf32, #tpu.memory_space<vmem>>, vector<64x32xf32>
      %dot_general3A_268 = arith.constant dense<0.000000e+00> : vector<64x128xf32>
      %dot_general3A_269 = tpu.matmul %get3A_267, %dot_general3A_24, %dot_general3A_268 {dimension_numbers = #tpu.dot_dimension_numbers<[1], [0], [0], [1], [0, 0, 1, 1], [], []>, transpose_lhs_hint = false} : vector<64x32xf32>, vector<32x128xf32>, vector<64x128xf32> -> vector<64x128xf32>
      %swap3A_270 = arith.constant 0 : index
      %swap3A_271 = arith.constant 3840 : index
      %swap3A_272 = vector.load %arg7[%swap3A_270, %swap3A_271] : memref<64x4096xf32, #tpu.memory_space<vmem>>, vector<64x128xf32>
      tpu.vector_store %arg7[%swap3A_270, %swap3A_271], %dot_general3A_269 {strides = array<i32>} : memref<64x4096xf32, #tpu.memory_space<vmem>>, vector<64x128xf32>,
      %get3A_273 = arith.constant 1984 : index
      %get3A_274 = arith.constant 0 : index
      %get3A_275 = vector.load %arg3[%get3A_273, %get3A_274] : memref<2048x32xf32, #tpu.memory_space<vmem>>, vector<64x32xf32>
      %dot_general3A_276 = arith.constant dense<0.000000e+00> : vector<64x128xf32>
      %dot_general3A_277 = tpu.matmul %get3A_275, %dot_general3A_24, %dot_general3A_276 {dimension_numbers = #tpu.dot_dimension_numbers<[1], [0], [0], [1], [0, 0, 1, 1], [], []>, transpose_lhs_hint = false} : vector<64x32xf32>, vector<32x128xf32>, vector<64x128xf32> -> vector<64x128xf32>
      %swap3A_278 = arith.constant 0 : index
      %swap3A_279 = arith.constant 3968 : index
      %swap3A_280 = vector.load %arg7[%swap3A_278, %swap3A_279] : memref<64x4096xf32, #tpu.memory_space<vmem>>, vector<64x128xf32>
      tpu.vector_store %arg7[%swap3A_278, %swap3A_279], %dot_general3A_277 {strides = array<i32>} : memref<64x4096xf32, #tpu.memory_space<vmem>>, vector<64x128xf32>,
    } else {
    }
    %get3A = arith.constant 0 : index
    %get3A_2 = arith.constant 0 : index
    %get3A_3 = arith.constant 0 : index
    %get3A_4 = vector.load %arg1[%get3A, %get3A_2, %get3A_3] : memref<256x64x16xf32, #tpu.memory_space<vmem>>, vector<256x64x16xf32>
    %get3A_5 = arith.constant 0 : index
    %get3A_6 = arith.constant 0 : index
    %get3A_7 = vector.load %arg2[%get3A_5, %get3A_6] : memref<1x16xf32, #tpu.memory_space<vmem>>, vector<1x16xf32>
    %get3A_8 = vector.shape_cast %get3A_7 : vector<1x16xf32> to vector<16xf32>
    %broadcast_in_dim3A = vector.shape_cast %get3A_8 : vector<16xf32> to vector<1x1x16xf32>
    %mul3A = vector.broadcast %broadcast_in_dim3A : vector<1x1x16xf32> to vector<256x64x16xf32>
    %mul3A_9 = arith.mulf %get3A_4, %mul3A : vector<256x64x16xf32>
    %reduce_sum3A = arith.constant dense<0.000000e+00> : vector<256x64xf32>
    %reduce_sum3A_10 = vector.multi_reduction <add>, %mul3A_9, %reduce_sum3A [2] : vector<256x64x16xf32> to vector<256x64xf32>
    %get3A_11 = arith.constant 0 : index
    %get3A_12 = arith.constant 0 : index
    %get3A_13 = vector.load %arg7[%get3A_11, %get3A_12] : memref<64x4096xf32, #tpu.memory_space<vmem>>, vector<64x4096xf32>
    %dot_general3A = arith.constant dense<0.000000e+00> : vector<256x4096xf32>
    %dot_general3A_14 = tpu.matmul %reduce_sum3A_10, %get3A_13, %dot_general3A {dimension_numbers = #tpu.dot_dimension_numbers<[1], [0], [0], [1], [0, 0, 1, 1], [], []>, transpose_lhs_hint = false} : vector<256x64xf32>, vector<64x4096xf32>, vector<256x4096xf32> -> vector<256x4096xf32>
    %swap3A = arith.constant 0 : index
    %swap3A_15 = arith.constant 0 : index
    %swap3A_16 = vector.load %arg6[%swap3A, %swap3A_15] : memref<256x4096xf32, #tpu.memory_space<vmem>>, vector<256x4096xf32>
    tpu.vector_store %arg6[%swap3A, %swap3A_15], %dot_general3A_14 {strides = array<i32>} : memref<256x4096xf32, #tpu.memory_space<vmem>>, vector<256x4096xf32>,
    return
  }
  func.func @transform_0(%arg0: i32) -> (i32, i32, i32) {
    %c0_i32 = arith.constant 0 : i32
    %c0_i32_0 = arith.constant 0 : i32
    %c0_i32_1 = arith.constant 0 : i32
    return %arg0, %c0_i32, %c0_i32_0 : i32, i32, i32
  }
  func.func @transform_1(%arg0: i32) -> (i32, i32) {
    %c0_i32 = arith.constant 0 : i32
    %c0_i32_0 = arith.constant 0 : i32
    %c0_i32_1 = arith.constant 0 : i32
    return %c0_i32, %c0_i32_0 : i32, i32
  }
  func.func @transform_2(%arg0: i32) -> (i32, i32) {
    %c0_i32 = arith.constant 0 : i32
    %c0_i32_0 = arith.constant 0 : i32
    %c0_i32_1 = arith.constant 0 : i32
    return %c0_i32, %c0_i32_0 : i32, i32
  }
  func.func @transform_3(%arg0: i32) -> (i32, i32) {
    %c0_i32 = arith.constant 0 : i32
    %c0_i32_0 = arith.constant 0 : i32
    %c0_i32_1 = arith.constant 0 : i32
    return %c0_i32, %c0_i32_0 : i32, i32
  }
  func.func @transform_4(%arg0: i32) -> (i32, i32) {
    %c0_i32 = arith.constant 0 : i32
    %c0_i32_0 = arith.constant 0 : i32
    %c0_i32_1 = arith.constant 0 : i32
    return %c0_i32, %c0_i32_0 : i32, i32
  }
  func.func @transform_5(%arg0: i32) -> (i32, i32) {
    %c0_i32 = arith.constant 0 : i32
    %c0_i32_0 = arith.constant 0 : i32
    return %arg0, %c0_i32 : i32, i32
  }
}

</mosaic_0001>

<sc_bundles>
// kernel: sparse-core-data-format-call.cloned.1.call-start
scs
called_computation_lowered:
.L_overlay_start_0:
0x0: {  	s2 =	sld [smem:$0x3FD9]  }
0x1: {  	s3 =	sld [smem:$0x3FFE];
	_ =	sdelay $0x1  }
0x2: {  	s1 =	srdreg.scid  }
0x3: {  	s0 =	sand.u32 $0x1, s1  }
0x4: {  	s18 =	sshll.u32 s0, $0xA;
	s2 =	sadd.s32 s3, s2  }
0x5: {  	s2 =	sadd.s32 s2, s18  }
0x6: {  	[smem:$0x3FC2] =	sst s2  }
0x7: {  	_ = 	snop  }
0x8: {  	s2 =	sld [smem:$0x3FD0];
	(tm) =	ssettm $0x1  }
0x9: {  	s19 =	sld [smem:$0x3FFB];
	_ =	sdelay $0x3  }
0xa: {  	_ =	strace s19  }
0xb: {  	s3 =	sld [smem:$0x3FFC];
	_ =	sdelay $0x3  }
0xc: {  	_ =	strace s3  }
0xd: {  	s3 =	sld [smem:$0x3FFD];
	_ =	sdelay $0x3  }
0xe: {  	_ =	strace s3  }
0xf: {  	_ =	strace $0x8FFFFFFF  }
0x10: {  	s20 =	sld [smem:$0x3FDB];
	_ =	sdelay $0x1  }
0x11: {  	s4 =	simm.s32 $_scs_section_size  }
0x12: {  	s5 =	simm.s32 $_size__tile_overlayer_lowered;
	s6 =	simm.s32 $_tile_overlayer_lowered  }
0x13: {  	s23 =	simm.s32 $0x1BFF;
	s22 =	sshll.u32 s6, $0x1;
	s3 =	sadd.s32 s4, s20  }
0x14: {  	s7 =	simm.s32 $0x0;
	s21 =	sshll.u32 s5, $0x1;
	s5 =	sadd.s32 s22, s3  }
0x15: {  	[timem:s7], [sflag:s23] =	dma.local [hbm:s5], s21  }
0x16: {  	_ =	swait.ge [sflag:s23], s21  }
0x17: {  	s4 =	ssub.s32 $0x0, s21;
	[sflag:s23] =	ssyncset.done $0x0  }
0x18: {  	[sflag:s23] =	ssyncadd.s32 s4;
	_ =	sdelay $0x1  }
0x19: {  	s24 =	simm.s32 $0x1B8B  }
0x1a: {  	_ =	swait.ge [sflag:s24], $0x1  }
0x1b: {  	[sflag:s24] =	ssyncset.done $0x0  }
0x1c: {  	s26 =	simm.s32 $0x1B8E;
	s25 =	sld [smem:$0x3FFE];
	[sflag:s24] =	ssyncadd.s32 $0xFFFFFFFF  }
0x1d: {  	s27 =	simm.s32 $execute0_lowered;
	[smem:$0x3FD2] =	sst s26  }
0x1e: {  	s5 =	sshll.u32 s27, $0x1;
	_ =	strace $0x80000046;
	[dreg:$0x1] =	wrdreg $0xFFFFFFFF  }
0x1f: {  	s28 =	simm.s32 $_size_execute0_lowered;
	s3 =	sadd.s32 s3, s5;
	[dreg:$0x0] =	wrdreg $0x0  }
0x20: {  	s5 =	sshll.u32 s28, $0x1;
	[dreg:$0x2] =	wrdreg s3  }
0x21: {  	[dreg:$0x3] =	wrdreg s5  }
0x22: {  	[dreg:$0x4] =	wrdreg $0xC0  }
0x23: {  	_ =	task [dreg:s7], $0x5FFFF  }
0x24: {  	[dreg:$0x1] =	wrdreg $0xFFFFFFFF  }
0x25: {  	[dreg:$0x0] =	wrdreg $0x60  }
0x26: {  	[dreg:$0x2] =	wrdreg s25  }
0x27: {  	[dreg:$0x3] =	wrdreg s2  }
0x28: {  	[dreg:$0x4] =	wrdreg $0x9  }
0x29: {  	_ =	task.clear_ibuf [dreg:s7], $0x5FFFF;
	_ =	strace $0x90000046  }
0x2a: {  	s29 =	simm.s32 $0x9;
	_ =	strace $0x80000048  }
0x2b: {  	_ =	swait.ge [sflag:s29], $0x1  }
0x2c: {  	[sflag:s29] =	ssyncadd.s32 $0xFFFFFFFF  }
0x2d: {  	_ =	strace $0x90000048  }
0x2e: {  	_ =	sfence  }
0x2f: {  	s30 =	sld [smem:$0x0];
	_ =	sdelay $0x2  }
0x30: {  	s31 =	sshll.u32 s1, $0xD;
	s1 =	sshrl.u32 s1, $0x2  }
0x31: {  	s3 =	sand.u32 $0x4000, s31;
	s1 =	sadd.s32 s1, s30  }
0x32: {  	s0 =	sor.u32 s3, s0;
	s1 =	sshll.u32 s1, $0x11  }
0x33: {  	s0 =	sor.u32 s1, s0  }
0x34: {  	s0 =	sadd.s32 $0x8F2B, s0  }
0x35: {  	[sflag:s0] =	ssyncadd.remote.s32 $0x1  }
0x36: {  	_ =	sfence.sel $0xFFFF  }
0x37: {  	[dreg:$0x0] =	wrdreg $0xFFFFFFFF;
	(pc) =	sbr.abs _section_cstart, $3  }
0x38: {  	[dreg:$0x1] =	wrdreg $0xFFFFFFFF  }
0x39: {  	_ =	task.clear_ibuf [dreg:s7], $0x2FFFF;
	_ =	strace $0x9FFFFFFF  }
0x3a: {  	(tm) =	ssettm $0x7FFFFFFF  }
0x3b: {  	_ =	shalt  }
tec
execute0_lowered:
.L_overlay_start_1:
0x0: {  	(tag) =	ssettag $0x1  }
0x1: {  	s1 =	rddreg [dreg:$0x0]  }
0x2: {  	s2 =	rddreg [dreg:$0x1]  }
0x3: {  	s0 =	rddreg [dreg:$0x2];
	_ =	strace $0x80000047;
	s4 =	srdreg.scid  }
0x4: {  	s6 =	simm.s32 $0x2;
	s11 =	simm.s32 $0x0;
	p0 =	por $0x0, $0x0  }
.Ltmp0:
0x5: {  	s7 =	simm.s32 $0x1000;
	s12 =	simm.s32 $0x0;
	(pc) =	sbr.rel .LBB1_1-.Ltmp0, $4  }
0x6: {  	s9 =	simm.s32 $0x0;
	s3 =	sadd.s32 $0x400600, s1;
	s5 =	sshll.u32 s4, $0x4  }
0x7: {  	s1 =	stileid.u32;
	s4 =	simm.s32 $0x1;
	s5 =	sand.u32 $0x10, s5  }
0x8: {  	s8 =	simm.s32 $0x0;
	[sflag:s4] =	ssyncpa.u1 $0x0;
	s5 =	sor.u32 s1, s5  }
0x9: {  	[sflag:s6] =	ssyncpa.u1 $0x0;
	s6 =	simm.s32 $0x800;
	s10 =	smov.u32 s5  }
.LBB1_7:
0xa: {  	s13 =	sadd.s32 $0x10, s9  }
0xb: {  	s11 =	sadd.s32 $0x20, s10;
	s15 =	smov.u32 s10;
	p2 =	sgt.s32 s13, $0x1F  }
0xc: {  	p1 =	slt.u32 s8, $0x2;
	s15 =	smov.u32 @p2 s11  }
0xd: {  	s8 =	sadd.s32 $0x1, s8;
	s13 =	simm.s32 @p2 $0x0;
	p2 =	sgt.s32 s15, $0x1FF  }
0xe: {  	s15 =	smov.u32 @p2 s5;
	p2 =	sne.s32 s8, $0x22  }
.Ltmp1:
0xf: {  	_ = 	snop;
	(pc) =	sbr.rel @!p2 .LBB1_8-.Ltmp1, $4  }
0x10: {  	s14 =	simm.s32 @!p1 $0x2  }
0x11: {  	s12 =	smov.u32 s10;
	_ =	swait.ge @!p1 [sflag:s14], $0x4000  }
0x12: {  	p0 =	por !p0, !p0;
	s11 =	smov.u32 s9;
	[sflag:s14] =	ssyncset.done @!p1 $0x0  }
0x13: {  	s9 =	smov.u32 s13;
	[sflag:s14] =	ssyncadd.s32 @!p1 $0xFFFFC000;
	s10 =	smov.u32 s15  }
.LBB1_1:
0x14: {  	p1 =	sgt.u32 s8, $0x1F  }
0x15: {  	s13 =	sxor.u32 @!p1 $0xFFFFFFFF, s8;
	s14 =	sshll.u32 @!p1 s10, $0xC  }
0x16: {  	s15 =	sshll.u32 @!p1 s9, $0x7;
	s13 =	sshll.u32 @!p1 s13, $0xE;
	s14 =	sadd.s32 @!p1 s3, s14  }
0x17: {  	s13 =	sand.u32 @!p1 $0x4000, s13;
	s14 =	sadd.s32 @!p1 s15, s14;
	s15 =	simm.s32 @!p1 $0x0  }
0x18: {  	[tilespmem:s13], [sflag:$0x1] =	stream.linear.gather @!p1 [hbm4b:s14+s15], $0x4000, $0x38;
	[tilespmem:$0x10000] =	vst v63  }
0x19: {  	p1 =	seq.s32 s8, $0x0  }
0x1a: {  	p2 =	seq.s32 @!p1 s8, $0x21  }
0x1b: {  	p1 =	por p1, p2  }
.Ltmp2:
0x1c: {  	_ = 	snop;
	(pc) =	sbr.rel @p1 .LBB1_7-.Ltmp2, $1  }
0x1d: {  	_ =	sdelay $0x3  }
0x1e: {  	s13 =	simm.s32 $0x1;
	_ =	swait.ge [sflag:s4], $0x4000;
	s16 =	sshll.u32 s8, $0xE  }
0x1f: {  	s13 =	simm.s32 @!p0 $0x0;
	[sflag:s4] =	ssyncset.done $0x0;
	s31 =	sand.u32 $0x4000, s16  }
0x20: {  	s16 =	simm.s32 $0x0;
	s14 =	sshll.u32 s13, $0xE;
	[sflag:s4] =	ssyncadd.s32 $0xFFFFC000  }
0x21: {  	s13 =	sor.u32 $0x8040, s14;
	s15 =	sor.u32 $0x40, s14;
	s14 =	sor.u32 $0x8000, s31  }
.LBB1_3:
0x22: {  	v0 =	vmov s15;
	_ =	sdelay $0x3  }
0x23: {  	s18 =	simm.s32 $0x0  }
0x24: {  	v6 =	vld.idx.msk [tilespmem:v0+s18+$0x30 ss:$0x1], $0xffff  }
0x25: {  	v7 =	vld.idx.msk [tilespmem:v0+s18+$0xFFFFFFC0 ss:$0x1], $0xffff  }
0x26: {  	v5 =	vld.idx.msk [tilespmem:v0+s18+$0xFFFFFFD0 ss:$0x1], $0xffff  }
0x27: {  	v4 =	vld.idx.msk [tilespmem:v0+s18+$0xFFFFFFE0 ss:$0x1], $0xffff  }
0x28: {  	v3 =	vld.idx.msk [tilespmem:v0+s18+$0xFFFFFFF0 ss:$0x1], $0xffff  }
0x29: {  	v1 =	vld.idx.msk [tilespmem:v0+s18+$0x0 ss:$0x1], $0xffff  }
0x2a: {  	v2 =	vld.idx.msk [tilespmem:v0+s18+$0x10 ss:$0x1], $0xffff;
	[tilespmem:s13+$0x30] =	vst v6  }
0x2b: {  	s17 =	simm.s32 $0x80;
	s19 =	simm.s32 $0x400;
	[tilespmem:s13+$0xFFFFFFC0] =	vst v7;
	v6 =	vld.idx.msk [tilespmem:v0+s18+$0x20 ss:$0x1], $0xffff;
	s18 =	smov.u32 s13  }
.LBB1_4:
0x2c: {  	p1 =	sne.s32 s19, $0xE00;
	v7 =	vld.idx.msk [tilespmem:v0+s17+$0x30 ss:$0x1], $0xffff;
	[tilespmem:s18+$0xFFFFFFD0] =	vst v5  }
0x2d: {  	v8 =	vld.idx.msk [tilespmem:v0+s17+$0xFFFFFFC0 ss:$0x1], $0xffff;
	[tilespmem:s18+$0xFFFFFFE0] =	vst v4  }
0x2e: {  	v5 =	vld.idx.msk [tilespmem:v0+s17+$0xFFFFFFD0 ss:$0x1], $0xffff;
	[tilespmem:s18+$0xFFFFFFF0] =	vst v3  }
.Ltmp3:
0x2f: {  	v4 =	vld.idx.msk [tilespmem:v0+s17+$0xFFFFFFE0 ss:$0x1], $0xffff;
	[tilespmem:s18+$0x0] =	vst v1;
	(pc) =	sbr.rel @p1 .LBB1_4-.Ltmp3, $4  }
0x30: {  	v3 =	vld.idx.msk [tilespmem:v0+s17+$0xFFFFFFF0 ss:$0x1], $0xffff;
	[tilespmem:s18+$0x10] =	vst v2  }
0x31: {  	v1 =	vld.idx.msk [tilespmem:v0+s17+$0x0 ss:$0x1], $0xffff;
	[tilespmem:s18+$0x20] =	vst v6;
	s18 =	sadd.s32 $0x800, s18  }
0x32: {  	v2 =	vld.idx.msk [tilespmem:v0+s17+$0x10 ss:$0x1], $0xffff;
	[tilespmem:s18+$0x30] =	vst v7  }
0x33: {  	[tilespmem:s18+$0xFFFFFFC0] =	vst v8;
	v6 =	vld.idx.msk [tilespmem:v0+s17+$0x20 ss:$0x1], $0xffff;
	s17 =	sshra.s32 s19, $0x2;
	s19 =	sadd.s32 $0x200, s19  }
0x34: {  	_ =	sdelay $0x2  }
0x35: {  	[tilespmem:s18+$0xFFFFFFD0] =	vst v5  }
0x36: {  	v56 =	vld.idx.msk [tilespmem:v0+s17+$0x30 ss:$0x1], $0xffff;
	[tilespmem:s18+$0xFFFFFFE0] =	vst v4  }
0x37: {  	v57 =	vld.idx.msk [tilespmem:v0+s17+$0xFFFFFFC0 ss:$0x1], $0xffff;
	[tilespmem:s18+$0xFFFFFFF0] =	vst v3  }
0x38: {  	v58 =	vld.idx.msk [tilespmem:v0+s17+$0xFFFFFFD0 ss:$0x1], $0xffff;
	[tilespmem:s18+$0x0] =	vst v1  }
0x39: {  	v59 =	vld.idx.msk [tilespmem:v0+s17+$0xFFFFFFE0 ss:$0x1], $0xffff;
	[tilespmem:s18+$0x10] =	vst v2  }
0x3a: {  	v60 =	vld.idx.msk [tilespmem:v0+s17+$0xFFFFFFF0 ss:$0x1], $0xffff;
	s31 =	sadd.s32 $0x800, s18;
	[tilespmem:s18+$0x20] =	vst v6  }
0x3b: {  	v61 =	vld.idx.msk [tilespmem:v0+s17+$0x0 ss:$0x1], $0xffff;
	[tilespmem:s31+$0x30] =	vst v56  }
0x3c: {  	v62 =	vld.idx.msk [tilespmem:v0+s17+$0x10 ss:$0x1], $0xffff;
	s16 =	sadd.s32 $0x1, s16;
	[tilespmem:s31+$0xFFFFFFC0] =	vst v57  }
0x3d: {  	v63 =	vld.idx.msk [tilespmem:v0+s17+$0x20 ss:$0x1], $0xffff;
	p1 =	sne.s32 s16, $0x10;
	[tilespmem:s31+$0xFFFFFFD0] =	vst v58  }
.Ltmp4:
0x3e: {  	[tilespmem:s31+$0xFFFFFFE0] =	vst v59;
	(pc) =	sbr.rel @p1 .LBB1_3-.Ltmp4, $4  }
0x3f: {  	[tilespmem:s31+$0xFFFFFFF0] =	vst v60  }
0x40: {  	[tilespmem:s31+$0x0] =	vst v61  }
0x41: {  	[tilespmem:s31+$0x10] =	vst v62  }
0x42: {  	s13 =	sadd.s32 $0x80, s13;
	s15 =	sadd.s32 $0x400, s15;
	[tilespmem:s31+$0x20] =	vst v63  }
.Ltmp5:
0x43: {  	(pc) =	sbr.rel .LBB1_7-.Ltmp5, $4  }
0x44: {  	s12 =	sshll.u32 s12, $0xC;
	s11 =	sshll.u32 s11, $0x4  }
0x45: {  	s11 =	sand.u32 $0x1F0, s11;
	s12 =	sadd.s32 s2, s12  }
0x46: {  	s11 =	sadd.s32 s11, s12  }
0x47: {  	[hbm4b:s11+s6] =	stream.strided.scatter [tilespmem:s14], [sflag:$0x2], $0x4000, s7, s6, $0x38;
	[tilespmem:$0x10000] =	vst v63  }
.LBB1_8:
0x48: {  	_ =	sfence.sel $0x180000  }
0x49: {  	s2 =	simm.s32 $0x1;
	[bflag:$0x0] =	sbarrier.arrive $0xFFFF  }
0x4a: {  	s31 =	simm.s32 $0x2;
	[sflag:s2] =	ssyncpa.u1 $0x1  }
0x4b: {  	[sflag:s31] =	ssyncpa.u1 $0x1  }
0x4c: {  	p0 =	sne.s32 s1, $0x0;
	_ =	strace $0x90000047  }
0x4d: {  	s0 =	sadd.s32 @!p0 $0x100000, s0;
	[bflag:$0x2] =	sbarrier.arrive $0xFFFF  }
0x4e: {  	[sflag:s0] =	ssyncadd.tile.s32 @!p0 $0x1;
	_ =	shalt  }
.Lfunc_end1:
_tile_overlayer_lowered:
.L_overlay_start_2:
0x4f: {  	(tag) =	ssettag $0x2  }
0x50: {  	s0 =	rddreg [dreg:$0x0];
	s2 =	stileid.u32  }
0x51: {  	s1 =	rddreg [dreg:$0x1];
	p0 =	sne.s32 s2, $0x0  }
0x52: {  	s3 =	rddreg [dreg:$0x2];
	[bflag:$0x3] =	sbarrier.arrive $0xFFFF;
	s2 =	simm.s32 @!p0 $0x1C01  }
0x53: {  	[timem:s3], [sflag:s2] =	dma.local @!p0 [hbm:s0], s1  }
0x54: {  	s0 =	simm.s32 @!p0 $0x1  }
0x55: {  	_ =	swait.ge @!p0 [sflag:s0], s1  }
0x56: {  	s1 =	ssub.s32 @!p0 $0x0, s1;
	[sflag:s0] =	ssyncset.done @!p0 $0x0  }
0x57: {  	[sflag:s0] =	ssyncadd.s32 @!p0 s1  }
0x58: {  	[bflag:$0x3] =	sbarrier.arrive $0xFFFF  }
0x59: {  	_ =	shalt  }

</sc_bundles>
